<compile_context>
chip_gen: v7x
topology: tpu7x:2x2x1
jax: 0.10.2.dev20260603
libtpu: 0.0.44.dev20260713+nightly
codegen_flags: <defaults>
</compile_context>

<pallas_src>
import functools

import jax
import jax.numpy as jnp
from jax import lax
from jax.experimental import pallas as pl
from jax.experimental.pallas import tpu as pltpu

M, K, N, E, TOPK = 2048, 1024, 1024, 8, 2
P = M * TOPK
BM = 256
NB = P // BM + E
PT = NB * BM
CM = 256


def _gemm_body(blk_e_ref, nb_ref, src_ref, a1_ref, w1_ref, w2_ref, o_ref):
    b = pl.program_id(0)

    @pl.when(b < nb_ref[0])
    def _():
        src_row = src_ref[0, 0, :]
        tok = lax.broadcasted_iota(jnp.int32, (BM, M), 1)
        sel = (tok == src_row[:, None]).astype(jnp.bfloat16)
        ag = jnp.dot(sel, a1_ref[...],
                     preferred_element_type=jnp.float32)
        h = lax.dot_general(ag, w1_ref[0], (((1,), (1,)), ((), ())),
                            preferred_element_type=jnp.float32)
        gate = h[:, :N]
        up = h[:, N:]
        act = (gate * jax.nn.sigmoid(gate)) * up
        o_ref[...] = lax.dot_general(
            act, w2_ref[0], (((1,), (1,)), ((), ())),
            preferred_element_type=jnp.float32).astype(jnp.bfloat16)

    @pl.when(b >= nb_ref[0])
    def _():
        o_ref[...] = jnp.zeros((BM, K), jnp.bfloat16)


def _grouped_gemm(blk_e, nb_real, src_b, a1_bf, w1, w2):
    grid_spec = pltpu.PrefetchScalarGridSpec(
        num_scalar_prefetch=2,
        grid=(NB,),
        in_specs=[
            pl.BlockSpec((1, 1, BM), lambda b, se, sn: (b, 0, 0)),
            pl.BlockSpec((M, K), lambda b, se, sn: (0, 0)),
            pl.BlockSpec((1, 2 * N, K), lambda b, se, sn: (se[b], 0, 0)),
            pl.BlockSpec((1, K, N), lambda b, se, sn: (se[b], 0, 0)),
        ],
        out_specs=pl.BlockSpec((BM, K), lambda b, se, sn: (b, 0)),
    )
    return pl.pallas_call(
        _gemm_body,
        grid_spec=grid_spec,
        out_shape=jax.ShapeDtypeStruct((PT, K), jnp.bfloat16),
        compiler_params=pltpu.CompilerParams(
            dimension_semantics=("arbitrary",),
        ),
    )(blk_e, nb_real, src_b, a1_bf, w1, w2)


def _combine_body(dest_ref, tw_ref, o_ref, out_ref):
    d0 = dest_ref[0, 0, :]
    d1 = dest_ref[0, 1, :]
    tw = tw_ref[...]
    slot = lax.broadcasted_iota(jnp.int32, (CM, PT), 1)
    w = (jnp.where(slot == d0[:, None], tw[:, 0:1], 0.0)
         + jnp.where(slot == d1[:, None], tw[:, 1:2], 0.0)
         ).astype(jnp.bfloat16)
    out_ref[...] = jnp.dot(w, o_ref[...],
                           preferred_element_type=jnp.float32)


def _combine(dest_b, topk_weights, o_sorted_bf):
    grid_spec = pltpu.PrefetchScalarGridSpec(
        num_scalar_prefetch=0,
        grid=(M // CM,),
        in_specs=[
            pl.BlockSpec((1, TOPK, CM), lambda c: (c, 0, 0)),
            pl.BlockSpec((CM, TOPK), lambda c: (c, 0)),
            pl.BlockSpec((PT, K), lambda c: (0, 0)),
        ],
        out_specs=pl.BlockSpec((CM, K), lambda c: (c, 0)),
    )
    return pl.pallas_call(
        _combine_body,
        grid_spec=grid_spec,
        out_shape=jax.ShapeDtypeStruct((M, K), jnp.float32),
        compiler_params=pltpu.CompilerParams(
            dimension_semantics=("arbitrary",),
        ),
    )(dest_b, topk_weights, o_sorted_bf)


@jax.jit
def kernel(a1, w1, w2, topk_weights, topk_ids):
    ids = topk_ids.astype(jnp.int32)
    e_flat = ids.reshape(-1)
    onehot = (e_flat[:, None] == jnp.arange(E, dtype=jnp.int32)[None, :]
              ).astype(jnp.int32)
    incl = jnp.cumsum(onehot, axis=0)
    counts = incl[-1]
    rank = jnp.take_along_axis(incl - onehot, e_flat[:, None], axis=1)[:, 0]
    padded = ((counts + BM - 1) // BM) * BM
    ends = jnp.cumsum(padded)
    base = ends - padded
    dest = (base[e_flat] + rank).astype(jnp.int32)
    tok = jnp.arange(P, dtype=jnp.int32) // TOPK
    src = jnp.full((PT,), M, jnp.int32).at[dest].set(tok)
    blk_e = jnp.searchsorted(
        ends, jnp.arange(NB, dtype=jnp.int32) * BM, side="right"
    ).astype(jnp.int32)
    blk_e = jnp.minimum(blk_e, E - 1)
    nb_real = (ends[-1] // BM).astype(jnp.int32).reshape((1,))

    a1_bf = a1.astype(jnp.bfloat16)
    o_sorted = _grouped_gemm(blk_e, nb_real, src.reshape(NB, 1, BM),
                             a1_bf, w1, w2)
    dest_b = (dest.reshape(M // CM, CM, TOPK)
              .transpose(0, 2, 1).reshape(M // CM, TOPK, CM))
    out = _combine(dest_b, topk_weights, o_sorted)
    return out

# --- scband reference (transcript-rebuilt; emitter-appended) ---
"""Pipeline reference for scband-fused-mo-emodular-kernel-84215718740362 (READ-ONLY COPY).

The authoritative reference and input builder live on the scoring server;
editing this copy changes nothing except your own understanding.
"""

import jax, jax.numpy as jnp
import numpy as np

M, K, N, E, TOPK = 2048, 1024, 1024, 8, 2


def setup_inputs(seed: int = 0) -> dict:
    key = jax.random.key(seed)
    k1, k2, k3, k4, k5 = jax.random.split(key, 5)
    a1 = jax.random.normal(k1, (M, K), dtype=jnp.float32)
    w1 = jax.random.normal(k2, (E, 2 * N, K), dtype=jnp.float32) * 0.02
    w2 = jax.random.normal(k3, (E, K, N), dtype=jnp.float32) * 0.02
    topk_weights = jax.random.uniform(k4, (M, TOPK), dtype=jnp.float32)
    topk_ids = jax.random.randint(k5, (M, TOPK), 0, E).astype(jnp.int64)
    return {"a1": a1, "w1": w1, "w2": w2, "topk_weights": topk_weights, "topk_ids": topk_ids}


def _silu(x):
    return x * jax.nn.sigmoid(x)


def reference(a1, w1, w2, topk_weights, topk_ids):
    # FusedMoEModularKernel.forward with an identity (no-quant) dispatch_combine
    # and a standard SiLU-gated fused-experts implementation.
    E_, K_, N_ = w2.shape
    topk = topk_ids.shape[1]
    # --- dispatch (identity quantization, no expert_map) ---
    a1q = a1
    dispatched_topk_ids = topk_ids
    # --- fused experts: permute -> grouped gemm (w1) -> silu*up -> gemm (w2) -> unpermute ---
    expert_out = jnp.zeros((a1.shape[0], topk, K_), dtype=a1.dtype)
    for e in range(E_):
        h = a1q @ w1[e].T            # [M, 2N]
        gate = h[:, :N_]
        up = h[:, N_:]
        act = _silu(gate) * up        # [M, N]
        o = act @ w2[e].T             # [M, K]
        mask = (dispatched_topk_ids == e).astype(a1.dtype)  # [M, topk]
        expert_out = expert_out + mask[..., None] * o[:, None, :]
    # --- combine: weighted sum over top-k expert outputs ---
    output = jnp.einsum("mt,mtk->mk", topk_weights.astype(a1.dtype), expert_out)
    return output

if __name__ == "__main__":
    import jax
    _d = setup_inputs()
    print(jax.jit(kernel)(*tuple(_d.values())))

</pallas_src>

<mosaic_0001>
module attributes {stable_mosaic.version = 14 : i64} {
  func.func @_gemm_body(%arg0: i32, %arg1: memref<24xi32, #tpu.memory_space<smem>>, %arg2: memref<1xi32, #tpu.memory_space<smem>>, %arg3: memref<1x1x256xi32, #tpu.memory_space<vmem>>, %arg4: memref<2048x1024xbf16, #tpu.memory_space<vmem>>, %arg5: memref<1x2048x1024xf32, #tpu.memory_space<vmem>>, %arg6: memref<1x1024x1024xf32, #tpu.memory_space<vmem>>, %arg7: memref<256x1024xbf16, #tpu.memory_space<vmem>>) attributes {dimension_semantics = [#tpu.dimension_semantics<arbitrary>], iteration_bounds = array<i64: 24>, scalar_prefetch = 2 : i64, scratch_operands = 0 : i64, tpu.core_type = #tpu.core_type<tc>, window_params = [{transform_indices = @transform_0, window_bounds = array<i64: 1, 1, 256>}, {pipeline_mode = #tpu.pipeline_mode<synchronous>, transform_indices = @transform_1, window_bounds = array<i64: 2048, 1024>}, {transform_indices = @transform_2, window_bounds = array<i64: 1, 2048, 1024>}, {transform_indices = @transform_3, window_bounds = array<i64: 1, 1024, 1024>}, {transform_indices = @transform_4, window_bounds = array<i64: 256, 1024>}]} {
    %get3A = arith.constant 0 : index
    %get3A_0 = memref.load %arg2[%get3A] : memref<1xi32, #tpu.memory_space<smem>>
    %lt3A = arith.cmpi slt, %arg0, %get3A_0 : i32
    %convert_element_type3A = arith.extui %lt3A : i1 to i32
    %cond3A = arith.constant 0 : i32
    %cond3A_1 = arith.cmpi ne, %convert_element_type3A, %cond3A : i32
    scf.if %cond3A_1 {
      %get3A_7 = arith.constant 0 : index
      %get3A_8 = arith.constant 0 : index
      %get3A_9 = arith.constant 0 : index
      %get3A_10 = vector.load %arg3[%get3A_7, %get3A_8, %get3A_9] : memref<1x1x256xi32, #tpu.memory_space<vmem>>, vector<1x1x256xi32>
      %get3A_11 = vector.shape_cast %get3A_10 : vector<1x1x256xi32> to vector<256xi32>
      %iota3A = tpu.iota {dimensions = array<i32: 1>} : vector<256x2048xi32>
      %broadcast_in_dim3A = vector.shape_cast %get3A_11 : vector<256xi32> to vector<256x1xi32>
      %eq3A = vector.broadcast %broadcast_in_dim3A : vector<256x1xi32> to vector<256x2048xi32>
      %eq3A_12 = arith.cmpi eq, %iota3A, %eq3A : vector<256x2048xi32>
      %convert_element_type3A_13 = arith.extui %eq3A_12 : vector<256x2048xi1> to vector<256x2048xi32>
      %convert_element_type3A_14 = arith.sitofp %convert_element_type3A_13 : vector<256x2048xi32> to vector<256x2048xf32>
      %convert_element_type3A_15 = arith.truncf %convert_element_type3A_14 : vector<256x2048xf32> to vector<256x2048xbf16>
      %get3A_16 = arith.constant 0 : index
      %get3A_17 = arith.constant 0 : index
      %get3A_18 = vector.load %arg4[%get3A_16, %get3A_17] : memref<2048x1024xbf16, #tpu.memory_space<vmem>>, vector<2048x1024xbf16>
      %dot_general3A = arith.constant dense<0.000000e+00> : vector<256x1024xf32>
      %dot_general3A_19 = tpu.matmul %convert_element_type3A_15, %get3A_18, %dot_general3A {dimension_numbers = #tpu.dot_dimension_numbers<[1], [0], [0], [1], [0, 0, 1, 1], [], []>, transpose_lhs_hint = false} : vector<256x2048xbf16>, vector<2048x1024xbf16>, vector<256x1024xf32> -> vector<256x1024xf32>
      %get3A_20 = arith.constant 0 : index
      %get3A_21 = arith.constant 0 : index
      %get3A_22 = arith.constant 0 : index
      %get3A_23 = vector.load %arg5[%get3A_20, %get3A_21, %get3A_22] : memref<1x2048x1024xf32, #tpu.memory_space<vmem>>, vector<1x2048x1024xf32>
      %get3A_24 = vector.shape_cast %get3A_23 : vector<1x2048x1024xf32> to vector<2048x1024xf32>
      %dot_general3A_25 = arith.constant dense<0.000000e+00> : vector<256x2048xf32>
      %dot_general3A_26 = tpu.matmul %dot_general3A_19, %get3A_24, %dot_general3A_25 {dimension_numbers = #tpu.dot_dimension_numbers<[1], [1], [0], [0], [0, 0, 1, 0], [], []>, transpose_lhs_hint = false} : vector<256x1024xf32>, vector<2048x1024xf32>, vector<256x2048xf32> -> vector<256x2048xf32>
      %slice3A = vector.extract_strided_slice %dot_general3A_26 {offsets = [0, 0], sizes = [256, 1024], strides = [1, 1]} : vector<256x2048xf32> to vector<256x1024xf32>
      %slice3A_27 = vector.extract_strided_slice %dot_general3A_26 {offsets = [0, 1024], sizes = [256, 1024], strides = [1, 1]} : vector<256x2048xf32> to vector<256x1024xf32>
      %logistic3A = arith.negf %slice3A : vector<256x1024xf32>
      %logistic3A_28 = math.exp %logistic3A : vector<256x1024xf32>
      %logistic3A_29 = arith.constant 1.000000e+00 : f32
      %logistic3A_30 = vector.broadcast %logistic3A_29 : f32 to vector<256x1024xf32>
      %logistic3A_31 = arith.addf %logistic3A_30, %logistic3A_28 : vector<256x1024xf32>
      %logistic3A_32 = arith.divf %logistic3A_30, %logistic3A_31 : vector<256x1024xf32>
      %mul3A = arith.mulf %slice3A, %logistic3A_32 : vector<256x1024xf32>
      %mul3A_33 = arith.mulf %mul3A, %slice3A_27 : vector<256x1024xf32>
      %get3A_34 = arith.constant 0 : index
      %get3A_35 = arith.constant 0 : index
      %get3A_36 = arith.constant 0 : index
      %get3A_37 = vector.load %arg6[%get3A_34, %get3A_35, %get3A_36] : memref<1x1024x1024xf32, #tpu.memory_space<vmem>>, vector<1x1024x1024xf32>
      %get3A_38 = vector.shape_cast %get3A_37 : vector<1x1024x1024xf32> to vector<1024x1024xf32>
      %dot_general3A_39 = arith.constant dense<0.000000e+00> : vector<256x1024xf32>
      %dot_general3A_40 = tpu.matmul %mul3A_33, %get3A_38, %dot_general3A_39 {dimension_numbers = #tpu.dot_dimension_numbers<[1], [1], [0], [0], [0, 0, 1, 0], [], []>, transpose_lhs_hint = false} : vector<256x1024xf32>, vector<1024x1024xf32>, vector<256x1024xf32> -> vector<256x1024xf32>
      %convert_element_type3A_41 = arith.truncf %dot_general3A_40 : vector<256x1024xf32> to vector<256x1024xbf16>
      %swap3A = arith.constant 0 : index
      %swap3A_42 = arith.constant 0 : index
      %swap3A_43 = vector.load %arg7[%swap3A, %swap3A_42] : memref<256x1024xbf16, #tpu.memory_space<vmem>>, vector<256x1024xbf16>
      tpu.vector_store %arg7[%swap3A, %swap3A_42], %convert_element_type3A_41 {strides = array<i32>} : memref<256x1024xbf16, #tpu.memory_space<vmem>>, vector<256x1024xbf16>,
    } else {
    }
    %get3A_2 = arith.constant 0 : index
    %get3A_3 = memref.load %arg2[%get3A_2] : memref<1xi32, #tpu.memory_space<smem>>
    %ge3A = arith.cmpi sge, %arg0, %get3A_3 : i32
    %convert_element_type3A_4 = arith.extui %ge3A : i1 to i32
    %cond3A_5 = arith.constant 0 : i32
    %cond3A_6 = arith.cmpi ne, %convert_element_type3A_4, %cond3A_5 : i32
    scf.if %cond3A_6 {
      %broadcast_in_dim3A = arith.constant 0.000000e+00 : bf16
      %broadcast_in_dim3A_7 = vector.broadcast %broadcast_in_dim3A : bf16 to vector<256x1024xbf16>
      %swap3A = arith.constant 0 : index
      %swap3A_8 = arith.constant 0 : index
      %swap3A_9 = vector.load %arg7[%swap3A, %swap3A_8] : memref<256x1024xbf16, #tpu.memory_space<vmem>>, vector<256x1024xbf16>
      tpu.vector_store %arg7[%swap3A, %swap3A_8], %broadcast_in_dim3A_7 {strides = array<i32>} : memref<256x1024xbf16, #tpu.memory_space<vmem>>, vector<256x1024xbf16>,
    } else {
    }
    return
  }
  func.func @transform_0(%arg0: i32, %arg1: memref<24xi32, #tpu.memory_space<smem>>, %arg2: memref<1xi32, #tpu.memory_space<smem>>) -> (i32, i32, i32) {
    %c0_i32 = arith.constant 0 : i32
    %c0_i32_0 = arith.constant 0 : i32
    %c0_i32_1 = arith.constant 0 : i32
    return %arg0, %c0_i32, %c0_i32_0 : i32, i32, i32
  }
  func.func @transform_1(%arg0: i32, %arg1: memref<24xi32, #tpu.memory_space<smem>>, %arg2: memref<1xi32, #tpu.memory_space<smem>>) -> (i32, i32) {
    %c0_i32 = arith.constant 0 : i32
    %c0_i32_0 = arith.constant 0 : i32
    %c0_i32_1 = arith.constant 0 : i32
    return %c0_i32, %c0_i32_0 : i32, i32
  }
  func.func @transform_2(%arg0: i32, %arg1: memref<24xi32, #tpu.memory_space<smem>>, %arg2: memref<1xi32, #tpu.memory_space<smem>>) -> (i32, i32, i32) {
    %get3A = arith.index_cast %arg0 : i32 to index
    %get3A_0 = memref.load %arg1[%get3A] : memref<24xi32, #tpu.memory_space<smem>>
    %c0_i32 = arith.constant 0 : i32
    %c0_i32_1 = arith.constant 0 : i32
    %c0_i32_2 = arith.constant 0 : i32
    return %get3A_0, %c0_i32, %c0_i32_1 : i32, i32, i32
  }
  func.func @transform_3(%arg0: i32, %arg1: memref<24xi32, #tpu.memory_space<smem>>, %arg2: memref<1xi32, #tpu.memory_space<smem>>) -> (i32, i32, i32) {
    %get3A = arith.index_cast %arg0 : i32 to index
    %get3A_0 = memref.load %arg1[%get3A] : memref<24xi32, #tpu.memory_space<smem>>
    %c0_i32 = arith.constant 0 : i32
    %c0_i32_1 = arith.constant 0 : i32
    %c0_i32_2 = arith.constant 0 : i32
    return %get3A_0, %c0_i32, %c0_i32_1 : i32, i32, i32
  }
  func.func @transform_4(%arg0: i32, %arg1: memref<24xi32, #tpu.memory_space<smem>>, %arg2: memref<1xi32, #tpu.memory_space<smem>>) -> (i32, i32) {
    %c0_i32 = arith.constant 0 : i32
    %c0_i32_0 = arith.constant 0 : i32
    return %arg0, %c0_i32 : i32, i32
  }
}

module attributes {stable_mosaic.version = 14 : i64} {
  func.func @_combine_body(%arg0: i32, %arg1: memref<1x2x256xi32, #tpu.memory_space<vmem>>, %arg2: memref<256x2xf32, #tpu.memory_space<vmem>>, %arg3: memref<6144x1024xbf16, #tpu.memory_space<vmem>>, %arg4: memref<256x1024xf32, #tpu.memory_space<vmem>>) attributes {dimension_semantics = [#tpu.dimension_semantics<arbitrary>], iteration_bounds = array<i64: 8>, scalar_prefetch = 0 : i64, scratch_operands = 0 : i64, tpu.core_type = #tpu.core_type<tc>, window_params = [{transform_indices = @transform_0, window_bounds = array<i64: 1, 2, 256>}, {transform_indices = @transform_1, window_bounds = array<i64: 256, 2>}, {pipeline_mode = #tpu.pipeline_mode<synchronous>, transform_indices = @transform_2, window_bounds = array<i64: 6144, 1024>}, {transform_indices = @transform_3, window_bounds = array<i64: 256, 1024>}]} {
    %get3A = arith.constant 0 : index
    %get3A_0 = arith.constant 0 : index
    %get3A_1 = arith.constant 0 : index
    %get3A_2 = vector.load %arg1[%get3A, %get3A_0, %get3A_1] : memref<1x2x256xi32, #tpu.memory_space<vmem>>, vector<1x1x256xi32>
    %get3A_3 = vector.shape_cast %get3A_2 : vector<1x1x256xi32> to vector<256xi32>
    %get3A_4 = arith.constant 0 : index
    %get3A_5 = arith.constant 1 : index
    %get3A_6 = arith.constant 0 : index
    %get3A_7 = vector.load %arg1[%get3A_4, %get3A_5, %get3A_6] : memref<1x2x256xi32, #tpu.memory_space<vmem>>, vector<1x1x256xi32>
    %get3A_8 = vector.shape_cast %get3A_7 : vector<1x1x256xi32> to vector<256xi32>
    %get3A_9 = arith.constant 0 : index
    %get3A_10 = arith.constant 0 : index
    %get3A_11 = vector.load %arg2[%get3A_9, %get3A_10] : memref<256x2xf32, #tpu.memory_space<vmem>>, vector<256x2xf32>
    %iota3A = tpu.iota {dimensions = array<i32: 1>} : vector<256x6144xi32>
    %broadcast_in_dim3A = vector.shape_cast %get3A_3 : vector<256xi32> to vector<256x1xi32>
    %eq3A = vector.broadcast %broadcast_in_dim3A : vector<256x1xi32> to vector<256x6144xi32>
    %eq3A_12 = arith.cmpi eq, %iota3A, %eq3A : vector<256x6144xi32>
    %slice3A = vector.extract_strided_slice %get3A_11 {offsets = [0, 0], sizes = [256, 1], strides = [1, 1]} : vector<256x2xf32> to vector<256x1xf32>
    %jit3A = arith.constant 0.000000e+00 : f32
    %broadcast_in_dim3A_13 = vector.shape_cast %slice3A : vector<256x1xf32> to vector<256x1xf32>
    %broadcast_in_dim3A_14 = vector.broadcast %broadcast_in_dim3A_13 : vector<256x1xf32> to vector<256x6144xf32>
    %broadcast_in_dim3A_15 = vector.broadcast %jit3A : f32 to vector<256x6144xf32>
    %select_n3A = arith.select %eq3A_12, %broadcast_in_dim3A_14, %broadcast_in_dim3A_15 : vector<256x6144xi1>, vector<256x6144xf32>
    %broadcast_in_dim3A_16 = vector.shape_cast %get3A_8 : vector<256xi32> to vector<256x1xi32>
    %eq3A_17 = vector.broadcast %broadcast_in_dim3A_16 : vector<256x1xi32> to vector<256x6144xi32>
    %eq3A_18 = arith.cmpi eq, %iota3A, %eq3A_17 : vector<256x6144xi32>
    %slice3A_19 = vector.extract_strided_slice %get3A_11 {offsets = [0, 1], sizes = [256, 1], strides = [1, 1]} : vector<256x2xf32> to vector<256x1xf32>
    %jit3A_20 = arith.constant 0.000000e+00 : f32
    %broadcast_in_dim3A_21 = vector.shape_cast %slice3A_19 : vector<256x1xf32> to vector<256x1xf32>
    %broadcast_in_dim3A_22 = vector.broadcast %broadcast_in_dim3A_21 : vector<256x1xf32> to vector<256x6144xf32>
    %broadcast_in_dim3A_23 = vector.broadcast %jit3A_20 : f32 to vector<256x6144xf32>
    %select_n3A_24 = arith.select %eq3A_18, %broadcast_in_dim3A_22, %broadcast_in_dim3A_23 : vector<256x6144xi1>, vector<256x6144xf32>
    %add3A = arith.addf %select_n3A, %select_n3A_24 : vector<256x6144xf32>
    %convert_element_type3A = arith.truncf %add3A : vector<256x6144xf32> to vector<256x6144xbf16>
    %get3A_25 = arith.constant 0 : index
    %get3A_26 = arith.constant 0 : index
    %get3A_27 = vector.load %arg3[%get3A_25, %get3A_26] : memref<6144x1024xbf16, #tpu.memory_space<vmem>>, vector<6144x1024xbf16>
    %dot_general3A = arith.constant dense<0.000000e+00> : vector<256x1024xf32>
    %dot_general3A_28 = tpu.matmul %convert_element_type3A, %get3A_27, %dot_general3A {dimension_numbers = #tpu.dot_dimension_numbers<[1], [0], [0], [1], [0, 0, 1, 1], [], []>, transpose_lhs_hint = false} : vector<256x6144xbf16>, vector<6144x1024xbf16>, vector<256x1024xf32> -> vector<256x1024xf32>
    %swap3A = arith.constant 0 : index
    %swap3A_29 = arith.constant 0 : index
    %swap3A_30 = vector.load %arg4[%swap3A, %swap3A_29] : memref<256x1024xf32, #tpu.memory_space<vmem>>, vector<256x1024xf32>
    tpu.vector_store %arg4[%swap3A, %swap3A_29], %dot_general3A_28 {strides = array<i32>} : memref<256x1024xf32, #tpu.memory_space<vmem>>, vector<256x1024xf32>,
    return
  }
  func.func @transform_0(%arg0: i32) -> (i32, i32, i32) {
    %c0_i32 = arith.constant 0 : i32
    %c0_i32_0 = arith.constant 0 : i32
    %c0_i32_1 = arith.constant 0 : i32
    return %arg0, %c0_i32, %c0_i32_0 : i32, i32, i32
  }
  func.func @transform_1(%arg0: i32) -> (i32, i32) {
    %c0_i32 = arith.constant 0 : i32
    %c0_i32_0 = arith.constant 0 : i32
    return %arg0, %c0_i32 : i32, i32
  }
  func.func @transform_2(%arg0: i32) -> (i32, i32) {
    %c0_i32 = arith.constant 0 : i32
    %c0_i32_0 = arith.constant 0 : i32
    %c0_i32_1 = arith.constant 0 : i32
    return %c0_i32, %c0_i32_0 : i32, i32
  }
  func.func @transform_3(%arg0: i32) -> (i32, i32) {
    %c0_i32 = arith.constant 0 : i32
    %c0_i32_0 = arith.constant 0 : i32
    return %arg0, %c0_i32 : i32, i32
  }
}

</mosaic_0001>

<sc_bundles>
// kernel: gather_offload_async_start
scs
__scs_entry_jumppad:
0x0: {  	(pc) =	sbr.rel $0x88, $3  }
0x1: {  	(tag) =	ssettag $0x0;
	lr =	simm.s32 $0x1  }
0x2: {  	[smem:$0x3F9C] =	sst lr;
	_ =	strace $0xD0000000  }
0x3: {  	_ = 	snop  }
0x4: {  	_ = 	snop  }
0x5: {  	_ = 	snop  }
0x6: {  	_ = 	snop  }
0x7: {  	_ = 	snop  }
__scs_overlays_trampoline_lowered:
0x8: {  	[smem:$0x3FAB] =	sst s0  }
0x9: {  	[smem:$0x3FAC] =	sst s1  }
0xa: {  	[smem:$0x3FAD] =	sst s2  }
0xb: {  	[smem:$0x3FAE] =	sst s3  }
0xc: {  	[smem:$0x3FAF] =	sst s4  }
0xd: {  	[smem:$0x3FB0] =	sst s5  }
0xe: {  	[smem:$0x3FB1] =	sst s6  }
0xf: {  	[smem:$0x3FB2] =	sst s7  }
0x10: {  	[smem:$0x3FB3] =	sst s8  }
0x11: {  	[smem:$0x3FB4] =	sst s9;
	s0 =	simm.s32 @!p0 $0x0  }
0x12: {  	s1 =	sld [smem:$0x3F9A];
	s0 =	simm.s32 @p0 $0x1  }
0x13: {  	[smem:$0x3FB5] =	sst s0;
	s0 =	simm.s32 @!p1 $0x0  }
0x14: {  	s2 =	sld [smem:$0x3F99];
	s0 =	simm.s32 @p1 $0x1  }
0x15: {  	[smem:$0x3FB6] =	sst s0;
	s0 =	simm.s32 @!p2 $0x0  }
0x16: {  	s3 =	sld [smem:$0x3FDB];
	s0 =	simm.s32 @p2 $0x1  }
0x17: {  	s4 =	simm.s32 $0x1BF5;
	[smem:$0x3FB8] =	sst s0  }
0x18: {  	s0 =	sld [smem:$0x3F9B];
	_ =	swait.ge [sflag:s4], $0x0  }
0x19: {  	s7 =	sld [smem:$0x3F9C]  }
0x1a: {  	s8 =	sadd.s32 $0xFFFFE003, lr  }
0x1b: {  	s9 =	sadd.s32 $0xFFFFFEF7, lr;
	s5 =	simm.s32 $0xFFFFFFFF;
	p2 =	slt.u32 s8, $0xFFFFF086  }
0x1c: {  	p1 =	slt.u32 s9, $0xF7A;
	s5 =	simm.s32 @!p2 $0x0  }
0x1d: {  	s5 =	simm.s32 @p1 $0x1;
	p0 =	seq.s32 s7, s2  }
0x1e: {  	s7 =	smul.u32 @!p0 $0xF7A, s2;
	p2 =	seq.s32 @!p0 s5, $0x0  }
0x1f: {  	s9 =	smul.u32 $0xF7A, s1;
	s8 =	simm.s32 @!p0 $0x1BF5;
	p2 =	por !p2, p0  }
0x20: {  	[sflag:s8] =	ssyncset.s32 @!p0 $0xFFFFF086;
	s6 =	sadd.s32 @!p0 s3, s7;
	s7 =	simm.s32 @!p0 $0x108  }
0x21: {  	s3 =	sadd.s32 s3, s9;
	s6 =	sadd.s32 @!p0 $0x88, s6;
	s7 =	simm.s32 @p2 $0x1082  }
0x22: {  	[simem:s7], [sflag:s8] =	dma.local @!p0 [hbm:s6], $0xF7A  }
0x23: {  	s9 =	sor.u32 $0xD0000000, s2;
	s6 =	simm.s32 $0x108;
	_ =	swait.ge @!p0 [sflag:s8], $0x0  }
0x24: {  	s3 =	sadd.s32 $0x88, s3;
	s6 =	simm.s32 @!p1 $0x1082;
	[sflag:s4] =	ssyncset.s32 $0xFFFFF086  }
0x25: {  	[simem:s6], [sflag:s4] =	dma.local [hbm:s3], $0xF7A  }
0x26: {  	[smem:$0x3F9C] =	sst s1;
	(tag) =	ssettag s2;
	_ =	strace s9  }
0x27: {  	s1 =	sld [smem:$0x3FAC]  }
0x28: {  	s2 =	sld [smem:$0x3FAD]  }
0x29: {  	s4 =	sld [smem:$0x3FAF]  }
0x2a: {  	p0 =	seq.s32 s5, $0x0;
	s5 =	sld [smem:$0x3FB0]  }
0x2b: {  	s6 =	sld [smem:$0x3FB1]  }
0x2c: {  	s7 =	sld [smem:$0x3FB2]  }
0x2d: {  	s3 =	simm.s32 $0x108;
	s8 =	sld [smem:$0x3FB3]  }
0x2e: {  	s3 =	simm.s32 @!p0 $0x1082;
	s9 =	sld [smem:$0x3FB4]  }
0x2f: {  	lr =	sadd.s32 s0, s3;
	s0 =	sld [smem:$0x3FAB]  }
0x30: {  	s3 =	sld [smem:$0x3FAE]  }
0x31: {  	[smem:$0x3FB7] =	sst s10  }
0x32: {  	s10 =	sld [smem:$0x3FB5];
	_ =	sdelay $0x3  }
0x33: {  	p0 =	seq.s32 s10, $0x1;
	s10 =	sld [smem:$0x3FB7];
	_ =	sdelay $0x3  }
0x34: {  	[smem:$0x3FB7] =	sst s10  }
0x35: {  	s10 =	sld [smem:$0x3FB6];
	_ =	sdelay $0x3  }
0x36: {  	p1 =	seq.s32 s10, $0x1;
	s10 =	sld [smem:$0x3FB7];
	_ =	sdelay $0x3  }
0x37: {  	[smem:$0x3FB7] =	sst s10  }
0x38: {  	s10 =	sld [smem:$0x3FB8]  }
0x39: {  	_ = 	snop;
	(pc) =	sbr.ind lr, $3  }
0x3a: {  	_ = 	snop  }
0x3b: {  	_ = 	snop  }
0x3c: {  	p2 =	seq.s32 s10, $0x1;
	s10 =	sld [smem:$0x3FB7]  }
0x3d: {  	_ =	shalt  }
0x3e: {  	_ =	shalt  }
0x3f: {  	_ =	shalt  }
0x40: {  	_ =	shalt  }
0x41: {  	_ =	shalt  }
0x42: {  	_ =	shalt  }
0x43: {  	_ =	shalt  }
0x44: {  	_ =	shalt  }
0x45: {  	_ =	shalt  }
0x46: {  	_ =	shalt  }
0x47: {  	_ =	shalt  }
0x48: {  	_ =	shalt  }
0x49: {  	_ =	shalt  }
0x4a: {  	_ =	shalt  }
0x4b: {  	_ =	shalt  }
0x4c: {  	_ =	shalt  }
0x4d: {  	_ =	shalt  }
0x4e: {  	_ =	shalt  }
0x4f: {  	_ =	shalt  }
0x50: {  	_ =	shalt  }
0x51: {  	_ =	shalt  }
0x52: {  	_ =	shalt  }
0x53: {  	_ =	shalt  }
0x54: {  	_ =	shalt  }
0x55: {  	_ =	shalt  }
0x56: {  	_ =	shalt  }
0x57: {  	_ =	shalt  }
0x58: {  	_ =	shalt  }
0x59: {  	_ =	shalt  }
0x5a: {  	_ =	shalt  }
0x5b: {  	_ =	shalt  }
0x5c: {  	_ =	shalt  }
0x5d: {  	_ =	shalt  }
0x5e: {  	_ =	shalt  }
0x5f: {  	_ =	shalt  }
0x60: {  	_ =	shalt  }
0x61: {  	_ =	shalt  }
0x62: {  	_ =	shalt  }
0x63: {  	_ =	shalt  }
0x64: {  	_ =	shalt  }
0x65: {  	_ =	shalt  }
0x66: {  	_ =	shalt  }
0x67: {  	_ =	shalt  }
0x68: {  	_ =	shalt  }
0x69: {  	_ =	shalt  }
0x6a: {  	_ =	shalt  }
0x6b: {  	_ =	shalt  }
0x6c: {  	_ =	shalt  }
0x6d: {  	_ =	shalt  }
0x6e: {  	_ =	shalt  }
0x6f: {  	_ =	shalt  }
0x70: {  	_ =	shalt  }
0x71: {  	_ =	shalt  }
0x72: {  	_ =	shalt  }
0x73: {  	_ =	shalt  }
0x74: {  	_ =	shalt  }
0x75: {  	_ =	shalt  }
0x76: {  	_ =	shalt  }
0x77: {  	_ =	shalt  }
0x78: {  	_ =	shalt  }
0x79: {  	_ =	shalt  }
0x7a: {  	_ =	shalt  }
0x7b: {  	_ =	shalt  }
0x7c: {  	_ =	shalt  }
0x7d: {  	_ =	shalt  }
0x7e: {  	_ =	shalt  }
0x7f: {  	_ =	shalt  }
0x80: {  	_ =	shalt  }
0x81: {  	_ =	shalt  }
0x82: {  	_ =	shalt  }
0x83: {  	_ =	shalt  }
0x84: {  	_ =	shalt  }
0x85: {  	_ =	shalt  }
0x86: {  	_ =	shalt  }
0x87: {  	_ =	shalt  }
.Lfunc_end0:
.L_simem_size_0:
called_computation_lowered:
.L_overlay_start_0:
0x88: {  	s2 =	sld [smem:$0x3FD9]  }
0x89: {  	s3 =	sld [smem:$0x3FFE];
	_ =	sdelay $0x1  }
0x8a: {  	s1 =	srdreg.scid  }
0x8b: {  	s0 =	sand.u32 $0x1, s1  }
0x8c: {  	s17 =	sshll.u32 s0, $0xA;
	s2 =	sadd.s32 s3, s2  }
0x8d: {  	s2 =	sadd.s32 s2, s17  }
0x8e: {  	[smem:$0x3FC3] =	sst s2  }
0x8f: {  	_ = 	snop  }
0x90: {  	s2 =	sld [smem:$0x3FD0];
	(tm) =	ssettm $0x1  }
0x91: {  	s18 =	sld [smem:$0x3FFB];
	_ =	sdelay $0x3  }
0x92: {  	_ =	strace s18  }
0x93: {  	s3 =	sld [smem:$0x3FFC];
	_ =	sdelay $0x3  }
0x94: {  	_ =	strace s3  }
0x95: {  	s3 =	sld [smem:$0x3FFD];
	_ =	sdelay $0x3  }
0x96: {  	_ =	strace s3  }
0x97: {  	_ =	strace $0x8FFFFFFF  }
0x98: {  	s19 =	sld [smem:$0x3FDB];
	_ =	sdelay $0x1  }
0x99: {  	s4 =	simm.s32 $_scs_section_size  }
0x9a: {  	s5 =	simm.s32 $_size__tile_overlayer_lowered;
	s6 =	simm.s32 $_tile_overlayer_lowered  }
0x9b: {  	s22 =	simm.s32 $0x1BFF;
	s21 =	sshll.u32 s6, $0x1;
	s3 =	sadd.s32 s4, s19  }
0x9c: {  	s7 =	simm.s32 $0x0;
	s20 =	sshll.u32 s5, $0x1;
	s5 =	sadd.s32 s21, s3  }
0x9d: {  	[timem:s7], [sflag:s22] =	dma.local [hbm:s5], s20  }
0x9e: {  	_ =	swait.ge [sflag:s22], s20  }
0x9f: {  	s4 =	ssub.s32 $0x0, s20;
	[sflag:s22] =	ssyncset.done $0x0  }
0xa0: {  	[sflag:s22] =	ssyncadd.s32 s4;
	_ =	sdelay $0x1  }
0xa1: {  	s23 =	simm.s32 $0x1B8B  }
0xa2: {  	_ =	swait.ge [sflag:s23], $0x1  }
0xa3: {  	[sflag:s23] =	ssyncset.done $0x0  }
0xa4: {  	s25 =	simm.s32 $0x1B8E;
	s24 =	sld [smem:$0x3FFE];
	[sflag:s23] =	ssyncadd.s32 $0xFFFFFFFF  }
0xa5: {  	s26 =	simm.s32 $execute0_lowered;
	[smem:$0x3FD2] =	sst s25  }
0xa6: {  	s5 =	sshll.u32 s26, $0x1;
	_ =	strace $0x80000046;
	[dreg:$0x1] =	wrdreg $0xFFFFFFFF  }
0xa7: {  	s28 =	simm.s32 $_size_execute0_lowered;
	s3 =	sadd.s32 s3, s5;
	[dreg:$0x0] =	wrdreg $0x0  }
0xa8: {  	s5 =	sshll.u32 s28, $0x1;
	[dreg:$0x2] =	wrdreg s3  }
0xa9: {  	[dreg:$0x3] =	wrdreg s5  }
0xaa: {  	[dreg:$0x4] =	wrdreg $0xC0  }
0xab: {  	_ =	task [dreg:s7], $0x5FFFF  }
0xac: {  	[dreg:$0x1] =	wrdreg $0xFFFFFFFF  }
0xad: {  	[dreg:$0x0] =	wrdreg $0x60  }
0xae: {  	[dreg:$0x2] =	wrdreg s2  }
0xaf: {  	[dreg:$0x3] =	wrdreg s24  }
0xb0: {  	[dreg:$0x4] =	wrdreg $0x9  }
0xb1: {  	_ =	task.clear_ibuf [dreg:s7], $0x5FFFF;
	_ =	strace $0x90000046  }
0xb2: {  	s29 =	simm.s32 $0x9;
	_ =	strace $0x80000048  }
0xb3: {  	_ =	swait.ge [sflag:s29], $0x1  }
0xb4: {  	[sflag:s29] =	ssyncadd.s32 $0xFFFFFFFF  }
0xb5: {  	_ =	strace $0x90000048  }
0xb6: {  	_ =	sfence  }
0xb7: {  	s30 =	sld [smem:$0x0];
	_ =	sdelay $0x2  }
0xb8: {  	s31 =	sshll.u32 s1, $0xD;
	s1 =	sshrl.u32 s1, $0x2  }
0xb9: {  	s3 =	sand.u32 $0x4000, s31;
	s1 =	sadd.s32 s1, s30  }
0xba: {  	s0 =	sor.u32 s3, s0;
	s1 =	sshll.u32 s1, $0x11  }
0xbb: {  	s0 =	sor.u32 s1, s0  }
0xbc: {  	s0 =	sadd.s32 $0x8F2B, s0  }
0xbd: {  	[sflag:s0] =	ssyncadd.remote.s32 $0x1  }
0xbe: {  	_ =	sfence.sel $0xFFFF  }
0xbf: {  	[dreg:$0x0] =	wrdreg $0xFFFFFFFF;
	(pc) =	sbr.abs _section_cstart, $3  }
0xc0: {  	[dreg:$0x1] =	wrdreg $0xFFFFFFFF  }
0xc1: {  	_ =	task.clear_ibuf [dreg:s7], $0x2FFFF;
	_ =	strace $0x9FFFFFFF  }
0xc2: {  	(tm) =	ssettm $0x7FFFFFFF  }
0xc3: {  	_ =	shalt  }
tec
execute0_lowered:
.L_overlay_start_1:
0x0: {  	(tag) =	ssettag $0x1  }
0x1: {  	s1 =	srdreg.scid;
	s2 =	rddreg [dreg:$0x0]  }
0x2: {  	s0 =	stileid.u32;
	s5 =	rddreg [dreg:$0x1];
	s6 =	simm.s32 $0x1  }
0x3: {  	s9 =	simm.s32 $0x1;
	s10 =	simm.s32 $0x3;
	s1 =	sshll.u32 s1, $0x6  }
0x4: {  	s13 =	simm.s32 $0x0;
	s3 =	sshll.u32 s0, $0x7;
	s4 =	sand.u32 $0x40, s1  }
0x5: {  	s12 =	simm.s32 $0x0;
	s1 =	rddreg [dreg:$0x2];
	s3 =	sor.u32 s3, s4  }
0x6: {  	_ =	strace $0x80000047;
	s4 =	sadd.s32 $0x200, s5;
	s8 =	ssub.s32 $0x1000, s3  }
.Ltmp0:
0x7: {  	s5 =	sadd.s32 $0x400, s5;
	s7 =	sand.u32 $0x7C0, s8;
	(pc) =	sbr.rel .LBB2_1-.Ltmp0, $4  }
0x8: {  	[sflag:s6] =	ssyncpa.u1 $0x0;
	s11 =	smov.u32 s3;
	p0 =	sne.s32 s7, $0x0  }
0x9: {  	s8 =	sshrl.u32 s8, $0xB;
	s7 =	simm.s32 $0x2;
	s9 =	simm.s32 @!p0 $0x0  }
0xa: {  	[sflag:s7] =	ssyncpa.u1 $0x0;
	p0 =	por $0x0, $0x0;
	s8 =	sadd.s32 s9, s8  }
0xb: {  	vm0 =	vmmov $0xffff;
	[sflag:s10] =	ssyncpa.u1 $0x0;
	s10 =	simm.s32 $0x0;
	s9 =	sadd.s32 $0x1, s8  }
.LBB2_4:
0xc: {  	v5 =	vshrl.u32 v1, $0xC;
	v6 =	vshll.u32 v1, $0x7  }
0xd: {  	vm1 =	veq.s32 v1, $0x80000000;
	v58 =	vand.u32 $0x7, v5;
	v59 =	vand.u32 $0x7FF80, v6  }
0xe: {  	v1 =	vsel vm1, $0xFFFFFFFF, v58;
	v5 =	vsel vm1, $0xFFFFFF80, v59  }
0xf: {  	v3 =	vor.u32 v4, v3;
	v60 =	vand.u32 $0xFFFFFC00, v5;
	v61 =	vand.u32 $0xFFFFFC00, v1  }
0x10: {  	v2 =	vor.u32 v2, v3;
	v63 =	vand.u32 $0x380, v5;
	v62 =	vadd.s32 v61, v60  }
0x11: {  	v1 =	vand.u32 $0x7F, v1;
	v3 =	vor.u32 v63, v62  }
0x12: {  	v1 =	vor.u32 v1, v3  }
0x13: {  	[tilespmem:s15], [sflag:$0x1] =	stream.indirect_vreg.gather [hbm4b:s2+s10], $0x1, v0, vm0, $0x4038;
	[tilespmem:$0x100] =	vst v63  }
0x14: {  	(ifvalue) =	ssetifvalue $0x7FFFFFFF  }
0x15: {  	[tilespmem:s16], [sflag:$0x1] =	stream.indirect_vreg.gather [hbm4b:s2+s10], $0x1, v2, vm0, $0x4038;
	[tilespmem:$0x100] =	vst v63  }
0x16: {  	s29 =	sadd.s32 $0x10, s16;
	(ifvalue) =	ssetifvalue $0x7FFFFFFF  }
0x17: {  	[tilespmem:s29], [sflag:$0x1] =	stream.indirect_vreg.gather [hbm4b:s2+s10], $0x1, v1, vm0, $0x4038;
	[tilespmem:$0x100] =	vst v63  }
0x18: {  	_ =	swait.ge [sflag:s6], $0x40  }
0x19: {  	s30 =	sshrl.u32 s13, $0x3;
	[sflag:s6] =	ssyncset.done $0x0  }
0x1a: {  	s31 =	sand.u32 $0x7, s13;
	s15 =	sadd.s32 s5, s30;
	[sflag:s6] =	ssyncadd.s32 $0xFFFFFFC0  }
0x1b: {  	[hbm4b:s15+s31] =	stream.linear.scatter [tilespmem:s14], [sflag:$0x3], $0x40, $0x38;
	[tilespmem:$0x100] =	vst v63  }
.LBB2_5:
0x1c: {  	s15 =	sadd.s32 $0x800, s11  }
0x1d: {  	p2 =	sgt.s32 s15, $0xFFF  }
0x1e: {  	s15 =	smov.u32 @p2 s3;
	p2 =	sne.s32 s12, s9  }
.Ltmp1:
0x1f: {  	p1 =	slt.u32 s12, $0x2;
	(pc) =	sbr.rel @!p2 .LBB2_6-.Ltmp1, $4  }
0x20: {  	s14 =	simm.s32 @!p1 $0x3  }
0x21: {  	s16 =	sadd.s32 $0x1, s12;
	_ =	swait.ge @!p1 [sflag:s14], $0x40  }
0x22: {  	s13 =	smov.u32 s11;
	p0 =	por !p0, !p0;
	[sflag:s14] =	ssyncset.done @!p1 $0x0  }
0x23: {  	s12 =	smov.u32 s16;
	s11 =	smov.u32 s15;
	[sflag:s14] =	ssyncadd.s32 @!p1 $0xFFFFFFC0  }
.LBB2_1:
0x24: {  	p1 =	sge.u32 s12, s8  }
0x25: {  	s14 =	sxor.u32 @!p1 $0xFFFFFFFF, s12  }
0x26: {  	s31 =	sadd.s32 $0xFFFFFFFF, s12;
	s15 =	sshrl.u32 @!p1 s11, $0x3;
	s14 =	sshll.u32 @!p1 s14, $0x6  }
0x27: {  	s16 =	sand.u32 @!p1 $0x7, s11;
	s15 =	sadd.s32 @!p1 s4, s15;
	s14 =	sand.u32 @!p1 $0x40, s14  }
0x28: {  	[tilespmem:s14], [sflag:$0x2] =	stream.linear.gather @!p1 [hbm4b:s15+s16], $0x40, $0x38;
	[tilespmem:$0x100] =	vst v63  }
0x29: {  	p1 =	sge.u32 s31, s8  }
.Ltmp2:
0x2a: {  	_ = 	snop;
	(pc) =	sbr.rel @p1 .LBB2_5-.Ltmp2, $1  }
0x2b: {  	_ =	sdelay $0x3  }
0x2c: {  	s14 =	simm.s32 $0x1  }
0x2d: {  	_ =	swait.ge [sflag:s7], $0x40;
	s14 =	simm.s32 @!p0 $0x0  }
0x2e: {  	[sflag:s7] =	ssyncset.done $0x0;
	s14 =	sshll.u32 s14, $0x6  }
0x2f: {  	[sflag:s7] =	ssyncadd.s32 $0xFFFFFFC0;
	(ifvalue) =	ssetifvalue $0x7FFFFFFF;
	v0 =	vld.msk [tilespmem:s14+$0x0 ss:$0x1], $0xffff;
	_ =	sdelay $0x4  }
0x30: {  	s15 =	sadd.s32 $0x10, s14;
	v2 =	vshrl.u32 v0, $0xC;
	v3 =	vshll.u32 v0, $0x7  }
0x31: {  	v1 =	vld.msk [tilespmem:s15+$0x0 ss:$0x1], $0xffff;
	vm1 =	veq.s32 v0, $0x80000000;
	v0 =	vand.u32 $0x7, v2;
	v2 =	vand.u32 $0x7FF80, v3  }
0x32: {  	v0 =	vsel vm1, $0xFFFFFFFF, v0;
	v2 =	vsel vm1, $0xFFFFFF80, v2  }
0x33: {  	v3 =	vand.u32 $0xFFFFFC00, v2;
	v4 =	vand.u32 $0xFFFFFC00, v0  }
0x34: {  	v2 =	vand.u32 $0x380, v2;
	v3 =	vadd.s32 v4, v3  }
0x35: {  	v0 =	vand.u32 $0x7F, v0;
	v2 =	vor.u32 v2, v3  }
0x36: {  	v5 =	vshll.u32 v1, $0x7;
	v4 =	vshrl.u32 v1, $0xC;
	v0 =	vor.u32 v0, v2  }
0x37: {  	s16 =	sshll.u32 s12, $0x6;
	vm1 =	veq.s32 v1, $0x80000000;
	v1 =	vand.u32 $0x7, v4;
	v4 =	vand.u32 $0x7FF80, v5  }
0x38: {  	s16 =	sand.u32 $0x40, s16;
	s18 =	sadd.s32 $0x10, s15;
	v3 =	vsel vm1, $0xFFFFFFFF, v1;
	v4 =	vsel vm1, $0xFFFFFF80, v4  }
0x39: {  	s17 =	simm.s32 $0x20;
	s15 =	sor.u32 $0x80, s14;
	s14 =	sor.u32 $0x80, s16;
	v1 =	vld.msk [tilespmem:s18+$0x0 ss:$0x1], $0xffff;
	v5 =	vand.u32 $0xFFFFFC00, v4;
	v6 =	vand.u32 $0xFFFFFC00, v3  }
0x3a: {  	s16 =	sadd.s32 $0x10, s15;
	s18 =	sadd.s32 $0x10, s18;
	(ifvalue) =	ssetifvalue $0x7FFFFFFF;
	v2 =	vand.u32 $0x7F, v3;
	v4 =	vand.u32 $0x380, v4;
	v3 =	vadd.s32 v6, v5  }
.LBB2_3:
0x3b: {  	[tilespmem:s15], [sflag:$0x1] =	stream.indirect_vreg.gather [hbm4b:s2+s10], $0x1, v0, vm0, $0x4038;
	[tilespmem:$0x100] =	vst v63  }
0x3c: {  	s17 =	sadd.s32 $0x10, s17  }
0x3d: {  	v3 =	vor.u32 v4, v3;
	p1 =	slt.u32 s17, $0x30  }
.Ltmp3:
0x3e: {  	v4 =	vshrl.u32 v1, $0xC;
	v5 =	vshll.u32 v1, $0x7;
	s15 =	smov.u32 s16;
	v0 =	vor.u32 v2, v3;
	v2 =	vmovc v1;
	v1 =	vld.msk [tilespmem:s18+$0x0 ss:$0x1], $0xffff;
	(pc) =	sbr.rel @p1 .LBB2_3-.Ltmp3, $4  }
0x3f: {  	v3 =	vand.u32 $0x7FF80, v5;
	vm1 =	veq.s32 v2, $0x80000000;
	v2 =	vand.u32 $0x7, v4  }
0x40: {  	v4 =	vsel vm1, $0xFFFFFFFF, v2;
	v5 =	vsel vm1, $0xFFFFFF80, v3  }
0x41: {  	v2 =	vand.u32 $0x7F, v4;
	v3 =	vand.u32 $0xFFFFFC00, v5;
	v4 =	vand.u32 $0xFFFFFC00, v4  }
0x42: {  	s16 =	sadd.s32 $0x10, s16;
	s18 =	sadd.s32 $0x10, s18;
	v3 =	vadd.s32 v4, v3;
	v4 =	vand.u32 $0x380, v5;
	(ifvalue) =	ssetifvalue $0x7FFFFFFF  }
.Ltmp4:
0x43: {  	_ = 	snop;
	(pc) =	sbr.rel .LBB2_4-.Ltmp4, $1  }
0x44: {  	_ =	sdelay $0x3  }
.LBB2_6:
0x45: {  	_ =	sfence.sel $0x180000  }
0x46: {  	s2 =	simm.s32 $0x2;
	[bflag:$0x0] =	sbarrier.arrive $0xFFFF  }
0x47: {  	s30 =	simm.s32 $0x3;
	[sflag:s2] =	ssyncpa.u1 $0x1  }
0x48: {  	s31 =	simm.s32 $0x1;
	[sflag:s30] =	ssyncpa.u1 $0x1  }
0x49: {  	[sflag:s31] =	ssyncpa.u1 $0x1  }
0x4a: {  	p0 =	sne.s32 s0, $0x0;
	_ =	strace $0x90000047  }
0x4b: {  	s0 =	sadd.s32 @!p0 $0x100000, s1;
	[bflag:$0x2] =	sbarrier.arrive $0xFFFF  }
0x4c: {  	[sflag:s0] =	ssyncadd.tile.s32 @!p0 $0x1;
	_ =	shalt  }
.Lfunc_end2:
_tile_overlayer_lowered:
.L_overlay_start_2:
0x4d: {  	(tag) =	ssettag $0x2  }
0x4e: {  	s0 =	rddreg [dreg:$0x0];
	s2 =	stileid.u32  }
0x4f: {  	s1 =	rddreg [dreg:$0x1];
	p0 =	sne.s32 s2, $0x0  }
0x50: {  	s3 =	rddreg [dreg:$0x2];
	[bflag:$0x3] =	sbarrier.arrive $0xFFFF;
	s2 =	simm.s32 @!p0 $0x1C01  }
0x51: {  	[timem:s3], [sflag:s2] =	dma.local @!p0 [hbm:s0], s1  }
0x52: {  	s0 =	simm.s32 @!p0 $0x1  }
0x53: {  	_ =	swait.ge @!p0 [sflag:s0], s1  }
0x54: {  	s1 =	ssub.s32 @!p0 $0x0, s1;
	[sflag:s0] =	ssyncset.done @!p0 $0x0  }
0x55: {  	[sflag:s0] =	ssyncadd.s32 @!p0 s1  }
0x56: {  	[bflag:$0x3] =	sbarrier.arrive $0xFFFF  }
0x57: {  	_ =	shalt  }

</sc_bundles>
